<compile_context>
chip_gen: v7x
topology: tpu7x:2x2x1
jax: 0.10.2.dev20260603
libtpu: 0.0.44.dev20260713+nightly
codegen_flags: <defaults>
</compile_context>

<pallas_src>
import functools

import jax
import jax.numpy as jnp
from jax import lax
from jax.experimental import pallas as pl
from jax.experimental.pallas import tpu as pltpu
from jax.experimental.pallas import tpu_sc as plsc

_B, _I, _N, _M = 8, 256, 4096, 16384
_L = 16
_NC, _NS = 2, 16
_NW = _NC * _NS
_ROWS = _I // _NW
_CHUNK = 2048
_NCHUNK = _M // _CHUNK
_NG = _B * _NCHUNK


def _gather_features(inp, idx):
    mesh = plsc.VectorSubcoreMesh(core_axis_name="c", subcore_axis_name="s")

    @functools.partial(
        pl.kernel,
        mesh=mesh,
        out_type=jax.ShapeDtypeStruct((_B, _I, _M), jnp.float32),
        compiler_params=pltpu.CompilerParams(needs_layout_passes=False),
        scratch_types=[
            pltpu.VMEM((_ROWS, _N), jnp.float32),
            pltpu.VMEM((_M,), jnp.int32),
            pltpu.VMEM((_ROWS, _CHUNK), jnp.float32),
            pltpu.VMEM((_ROWS, _CHUNK), jnp.float32),
            pltpu.VMEM((_ROWS, _CHUNK), jnp.float32),
            pltpu.VMEM((_ROWS, _CHUNK), jnp.float32),
            pltpu.SemaphoreType.DMA,
            pltpu.SemaphoreType.DMA,
            pltpu.SemaphoreType.DMA,
            pltpu.SemaphoreType.DMA,
        ],
    )
    def k(inp_hbm, idx_hbm, out_hbm, rows_v, idx_v, out0, out1, out2, out3,
          sem0, sem1, sem2, sem3):
        wid = lax.axis_index("s") * _NC + lax.axis_index("c")
        row_base = wid * _ROWS
        bufs = (out0, out1, out2, out3)
        sems = (sem0, sem1, sem2, sem3)

        def out_slice(g):
            b, c = g >> 3, g & 7
            return out_hbm.at[
                b, pl.ds(row_base, _ROWS), pl.ds(c * _CHUNK, _CHUNK)]

        def do_chunk(g, buf, sem):
            m0 = (g & 7) * _CHUNK

            @functools.partial(plsc.parallel_loop, 0, _CHUNK // _L, unroll=4)
            def per_vec(j):
                iv = idx_v[pl.ds(m0 + j * _L, _L)]
                for r in range(_ROWS):
                    rv = jnp.full((_L,), r, jnp.int32)
                    buf[r, pl.ds(j * _L, _L)] = plsc.load_gather(
                        rows_v, [rv, iv])

            pltpu.async_copy(buf, out_slice(g), sem)

        def per_quad(q, _):
            g = q * 4
            b = g >> 3

            @pl.when((g & 7) == 0)
            def _():
                pltpu.sync_copy(inp_hbm.at[b, pl.ds(row_base, _ROWS)], rows_v)
                pltpu.sync_copy(idx_hbm.at[b], idx_v)

            for s in range(4):
                @pl.when(q >= 1)
                def _(s=s):
                    pltpu.make_async_copy(
                        bufs[s], out_slice(g + s - 4), sems[s]).wait()

                do_chunk(g + s, bufs[s], sems[s])
            return 0

        lax.fori_loop(0, _NG // 4, per_quad, 0)
        for s in range(4):
            pltpu.make_async_copy(
                bufs[s], out_slice(_NG - 4 + s), sems[s]).wait()

    return k(inp, idx)


def kernel(input, points, support_points, indices):
    idx = indices[:, :, 0]
    features = _gather_features(input, idx)
    return features, support_points, indices

# --- scband reference (transcript-rebuilt; emitter-appended) ---
"""Pipeline reference for scband-up-sample-nearest-21345987461182 (READ-ONLY COPY).

The authoritative reference and input builder live on the scoring server;
editing this copy changes nothing except your own understanding.
"""

import jax, jax.numpy as jnp
import numpy as np

B, I, N, M, D = 8, 256, 4096, 16384, 3

def setup_inputs(seed: int = 0) -> dict:
    key = jax.random.key(seed)
    k1, k2, k3, k4 = jax.random.split(key, 4)
    return {
        "input": jax.random.normal(k1, (B, I, N), dtype=jnp.float32),
        "points": jax.random.normal(k2, (B, D, N), dtype=jnp.float32),
        "support_points": jax.random.normal(k3, (B, D, M), dtype=jnp.float32),
        "indices": jax.random.randint(k4, (B, M, 1), 0, N, dtype=jnp.int32),
    }

def reference(input, points, support_points, indices):
    # batched_index_select(input, dim=2, index=indices):
    # index [B, M, 1] -> view(B,1,M) -> expand(B,I,M) -> gather along dim 2 -> [B,I,M,1] -> squeeze(3)
    idx = indices[:, :, 0]                              # [B, M]
    features = jnp.take_along_axis(input, idx[:, None, :], axis=2)  # [B, I, M]
    return features, support_points, indices

if __name__ == "__main__":
    import jax
    _d = setup_inputs()
    print(jax.jit(kernel)(*tuple(_d.values())))

</pallas_src>

<mosaic_0001>
#map = affine_map<(d0, d1) -> (0, 0, 0)>
#map1 = affine_map<(d0, d1) -> (0, 0)>
module attributes {stable_mosaic.version = 14 : i64} {
  func.func @k(%arg0: i32, %arg1: i32, %arg2: memref<8x256x4096xf32, #tpu.memory_space<hbm>>, %arg3: memref<8x16384xi32, #tpu.memory_space<hbm>>, %arg4: memref<8x256x16384xf32, #tpu.memory_space<hbm>>, %arg5: memref<8x4096xf32, #tpu.memory_space<vmem>>, %arg6: memref<16384xi32, #tpu.memory_space<vmem>>, %arg7: memref<8x2048xf32, #tpu.memory_space<vmem>>, %arg8: memref<8x2048xf32, #tpu.memory_space<vmem>>, %arg9: memref<8x2048xf32, #tpu.memory_space<vmem>>, %arg10: memref<8x2048xf32, #tpu.memory_space<vmem>>, %arg11: memref<!tpu.dma_semaphore, #tpu.memory_space<semaphore_mem>>, %arg12: memref<!tpu.dma_semaphore, #tpu.memory_space<semaphore_mem>>, %arg13: memref<!tpu.dma_semaphore, #tpu.memory_space<semaphore_mem>>, %arg14: memref<!tpu.dma_semaphore, #tpu.memory_space<semaphore_mem>>) attributes {dimension_semantics = [#tpu.dimension_semantics<core_parallel>, #tpu.dimension_semantics<subcore_parallel>], iteration_bounds = array<i64: 2, 16>, scalar_prefetch = 0 : i64, scratch_operands = 10 : i64, tpu.core_type = #tpu.core_type<sc_vector_subcore>, window_params = [{transform_indices = #map}, {transform_indices = #map1}, {transform_indices = #map}]} {
    %mul3A = arith.constant 2 : i32
    %mul3A_0 = arith.muli %arg1, %mul3A : i32
    %add3A = arith.addi %mul3A_0, %arg0 : i32
    %mul3A_1 = arith.constant 8 : i32
    %mul3A_2 = arith.muli %add3A, %mul3A_1 : i32
    %scan3A = arith.constant 0 : i32
    %scan3A_3 = arith.constant 0 : i32
    %scan3A_4 = arith.constant 16 : i32
    %scan3A_5 = arith.addi %scan3A_3, %scan3A_4 : i32
    %scan3A_6 = arith.constant 1 : i32
    %scan3A_7 = scf.for %scan3A_36 = %scan3A_3 to %scan3A_5 step %scan3A_6 iter_args(%scan3A_37 = %scan3A) -> (i32)  : i32 {
      %mul3A_38 = arith.constant 4 : i32
      %mul3A_39 = arith.muli %scan3A_36, %mul3A_38 : i32
      %shift_right_arithmetic3A = arith.constant 3 : i32
      %shift_right_arithmetic3A_40 = arith.shrsi %mul3A_39, %shift_right_arithmetic3A : i32
      %and3A = arith.constant 7 : i32
      %and3A_41 = arith.andi %mul3A_39, %and3A : i32
      %eq3A = arith.constant 0 : i32
      %eq3A_42 = arith.cmpi eq, %and3A_41, %eq3A : i32
      %convert_element_type3A = arith.extui %eq3A_42 : i1 to i32
      %cond3A = arith.constant 0 : i32
      %cond3A_43 = arith.cmpi ne, %convert_element_type3A, %cond3A : i32
      scf.if %cond3A_43 {
        "tpu.region"() ({
          %run_scoped3A = tpu.sem_alloc : memref<!tpu.dma_semaphore, #tpu.memory_space<semaphore_mem>>
          %dma_start3A_127 = arith.constant 0 : i32
          %dma_start3A_128 = tpu.memref_slice %arg2[%shift_right_arithmetic3A_40, %mul3A_2, %dma_start3A_127] : memref<8x256x4096xf32, #tpu.memory_space<hbm>> -> memref<1x8x4096xf32, #tpu.memory_space<hbm>>
          %dma_start3A_129 = tpu.memref_squeeze %dma_start3A_128 : memref<1x8x4096xf32, #tpu.memory_space<hbm>> -> memref<8x4096xf32, #tpu.memory_space<hbm>>
          %dma_start3A_130 = arith.constant 0 : i32
          %dma_start3A_131 = tpu.memref_slice %arg2[%shift_right_arithmetic3A_40, %mul3A_2, %dma_start3A_130] : memref<8x256x4096xf32, #tpu.memory_space<hbm>> -> memref<1x8x4096xf32, #tpu.memory_space<hbm>>
          %dma_start3A_132 = tpu.memref_squeeze %dma_start3A_131 : memref<1x8x4096xf32, #tpu.memory_space<hbm>> -> memref<8x4096xf32, #tpu.memory_space<hbm>>
          tpu.enqueue_dma source(%dma_start3A_132 : memref<8x4096xf32, #tpu.memory_space<hbm>>) target(%arg5 : memref<8x4096xf32, #tpu.memory_space<vmem>>) target_semaphore(%run_scoped3A : memref<!tpu.dma_semaphore, #tpu.memory_space<semaphore_mem>>)
          %dma_wait3A_133 = arith.constant 0 : i32
          %dma_wait3A_134 = tpu.memref_slice %arg2[%shift_right_arithmetic3A_40, %mul3A_2, %dma_wait3A_133] : memref<8x256x4096xf32, #tpu.memory_space<hbm>> -> memref<1x8x4096xf32, #tpu.memory_space<hbm>>
          %dma_wait3A_135 = tpu.memref_squeeze %dma_wait3A_134 : memref<1x8x4096xf32, #tpu.memory_space<hbm>> -> memref<8x4096xf32, #tpu.memory_space<hbm>>
          %dma_wait3A_136 = arith.constant 0 : i32
          %dma_wait3A_137 = tpu.memref_slice %arg2[%shift_right_arithmetic3A_40, %mul3A_2, %dma_wait3A_136] : memref<8x256x4096xf32, #tpu.memory_space<hbm>> -> memref<1x8x4096xf32, #tpu.memory_space<hbm>>
          %dma_wait3A_138 = tpu.memref_squeeze %dma_wait3A_137 : memref<1x8x4096xf32, #tpu.memory_space<hbm>> -> memref<8x4096xf32, #tpu.memory_space<hbm>>
          tpu.wait_dma2 semaphore(%run_scoped3A : memref<!tpu.dma_semaphore, #tpu.memory_space<semaphore_mem>>) src(%dma_wait3A_138 : memref<8x4096xf32, #tpu.memory_space<hbm>>) dst(%arg5 : memref<8x4096xf32, #tpu.memory_space<vmem>>)
          tpu.yield
        }) : () -> ()
        "tpu.region"() ({
          %run_scoped3A = tpu.sem_alloc : memref<!tpu.dma_semaphore, #tpu.memory_space<semaphore_mem>>
          %dma_start3A_127 = arith.constant 0 : i32
          %dma_start3A_128 = tpu.memref_slice %arg3[%shift_right_arithmetic3A_40, %dma_start3A_127] : memref<8x16384xi32, #tpu.memory_space<hbm>> -> memref<1x16384xi32, #tpu.memory_space<hbm>>
          %dma_start3A_129 = tpu.memref_squeeze %dma_start3A_128 : memref<1x16384xi32, #tpu.memory_space<hbm>> -> memref<16384xi32, #tpu.memory_space<hbm>>
          %dma_start3A_130 = arith.constant 0 : i32
          %dma_start3A_131 = tpu.memref_slice %arg3[%shift_right_arithmetic3A_40, %dma_start3A_130] : memref<8x16384xi32, #tpu.memory_space<hbm>> -> memref<1x16384xi32, #tpu.memory_space<hbm>>
          %dma_start3A_132 = tpu.memref_squeeze %dma_start3A_131 : memref<1x16384xi32, #tpu.memory_space<hbm>> -> memref<16384xi32, #tpu.memory_space<hbm>>
          tpu.enqueue_dma source(%dma_start3A_132 : memref<16384xi32, #tpu.memory_space<hbm>>) target(%arg6 : memref<16384xi32, #tpu.memory_space<vmem>>) target_semaphore(%run_scoped3A : memref<!tpu.dma_semaphore, #tpu.memory_space<semaphore_mem>>)
          %dma_wait3A_133 = arith.constant 0 : i32
          %dma_wait3A_134 = tpu.memref_slice %arg3[%shift_right_arithmetic3A_40, %dma_wait3A_133] : memref<8x16384xi32, #tpu.memory_space<hbm>> -> memref<1x16384xi32, #tpu.memory_space<hbm>>
          %dma_wait3A_135 = tpu.memref_squeeze %dma_wait3A_134 : memref<1x16384xi32, #tpu.memory_space<hbm>> -> memref<16384xi32, #tpu.memory_space<hbm>>
          %dma_wait3A_136 = arith.constant 0 : i32
          %dma_wait3A_137 = tpu.memref_slice %arg3[%shift_right_arithmetic3A_40, %dma_wait3A_136] : memref<8x16384xi32, #tpu.memory_space<hbm>> -> memref<1x16384xi32, #tpu.memory_space<hbm>>
          %dma_wait3A_138 = tpu.memref_squeeze %dma_wait3A_137 : memref<1x16384xi32, #tpu.memory_space<hbm>> -> memref<16384xi32, #tpu.memory_space<hbm>>
          tpu.wait_dma2 semaphore(%run_scoped3A : memref<!tpu.dma_semaphore, #tpu.memory_space<semaphore_mem>>) src(%dma_wait3A_138 : memref<16384xi32, #tpu.memory_space<hbm>>) dst(%arg6 : memref<16384xi32, #tpu.memory_space<vmem>>)
          tpu.yield
        }) : () -> ()
      } else {
      }
      %ge3A = arith.constant 1 : i32
      %ge3A_44 = arith.cmpi sge, %scan3A_36, %ge3A : i32
      %convert_element_type3A_45 = arith.extui %ge3A_44 : i1 to i32
      %cond3A_46 = arith.constant 0 : i32
      %cond3A_47 = arith.cmpi ne, %convert_element_type3A_45, %cond3A_46 : i32
      scf.if %cond3A_47 {
        %add3A_127 = arith.constant 0 : i32
        %add3A_128 = arith.addi %mul3A_39, %add3A_127 : i32
        %sub3A = arith.constant 4 : i32
        %sub3A_129 = arith.subi %add3A_128, %sub3A : i32
        %shift_right_arithmetic3A_130 = arith.constant 3 : i32
        %shift_right_arithmetic3A_131 = arith.shrsi %sub3A_129, %shift_right_arithmetic3A_130 : i32
        %and3A_132 = arith.constant 7 : i32
        %and3A_133 = arith.andi %sub3A_129, %and3A_132 : i32
        %mul3A_134 = arith.constant 2048 : i32
        %mul3A_135 = arith.muli %and3A_133, %mul3A_134 : i32
        %dma_wait3A_136 = tpu.memref_slice %arg4[%shift_right_arithmetic3A_131, %mul3A_2, %mul3A_135] : memref<8x256x16384xf32, #tpu.memory_space<hbm>> -> memref<1x8x2048xf32, #tpu.memory_space<hbm>>
        %dma_wait3A_137 = tpu.memref_squeeze %dma_wait3A_136 : memref<1x8x2048xf32, #tpu.memory_space<hbm>> -> memref<8x2048xf32, #tpu.memory_space<hbm>>
        %dma_wait3A_138 = tpu.memref_slice %arg4[%shift_right_arithmetic3A_131, %mul3A_2, %mul3A_135] : memref<8x256x16384xf32, #tpu.memory_space<hbm>> -> memref<1x8x2048xf32, #tpu.memory_space<hbm>>
        %dma_wait3A_139 = tpu.memref_squeeze %dma_wait3A_138 : memref<1x8x2048xf32, #tpu.memory_space<hbm>> -> memref<8x2048xf32, #tpu.memory_space<hbm>>
        tpu.wait_dma2 semaphore(%arg11 : memref<!tpu.dma_semaphore, #tpu.memory_space<semaphore_mem>>) src(%arg7 : memref<8x2048xf32, #tpu.memory_space<vmem>>) dst(%dma_wait3A_139 : memref<8x2048xf32, #tpu.memory_space<hbm>>)
      } else {
      }
      %add3A_48 = arith.constant 0 : i32
      %add3A_49 = arith.addi %mul3A_39, %add3A_48 : i32
      %and3A_50 = arith.constant 7 : i32
      %and3A_51 = arith.andi %add3A_49, %and3A_50 : i32
      %mul3A_52 = arith.constant 2048 : i32
      %mul3A_53 = arith.muli %and3A_51, %mul3A_52 : i32
      %shift_right_arithmetic3A_54 = arith.constant 3 : i32
      %shift_right_arithmetic3A_55 = arith.shrsi %add3A_49, %shift_right_arithmetic3A_54 : i32
      %and3A_56 = arith.constant 7 : i32
      %and3A_57 = arith.andi %add3A_49, %and3A_56 : i32
      %mul3A_58 = arith.constant 2048 : i32
      %mul3A_59 = arith.muli %and3A_57, %mul3A_58 : i32
      %dma_start3A = tpu.memref_slice %arg4[%shift_right_arithmetic3A_55, %mul3A_2, %mul3A_59] : memref<8x256x16384xf32, #tpu.memory_space<hbm>> -> memref<1x8x2048xf32, #tpu.memory_space<hbm>>
      %dma_start3A_60 = tpu.memref_squeeze %dma_start3A : memref<1x8x2048xf32, #tpu.memory_space<hbm>> -> memref<8x2048xf32, #tpu.memory_space<hbm>>
      %dma_start3A_61 = tpu.memref_slice %arg4[%shift_right_arithmetic3A_55, %mul3A_2, %mul3A_59] : memref<8x256x16384xf32, #tpu.memory_space<hbm>> -> memref<1x8x2048xf32, #tpu.memory_space<hbm>>
      %dma_start3A_62 = tpu.memref_squeeze %dma_start3A_61 : memref<1x8x2048xf32, #tpu.memory_space<hbm>> -> memref<8x2048xf32, #tpu.memory_space<hbm>>
      tpu.enqueue_dma source(%arg7 : memref<8x2048xf32, #tpu.memory_space<vmem>>) target(%dma_start3A_62 : memref<8x2048xf32, #tpu.memory_space<hbm>>) target_semaphore(%arg11 : memref<!tpu.dma_semaphore, #tpu.memory_space<semaphore_mem>>)
      %ge3A_63 = arith.constant 1 : i32
      %ge3A_64 = arith.cmpi sge, %scan3A_36, %ge3A_63 : i32
      %convert_element_type3A_65 = arith.extui %ge3A_64 : i1 to i32
      %cond3A_66 = arith.constant 0 : i32
      %cond3A_67 = arith.cmpi ne, %convert_element_type3A_65, %cond3A_66 : i32
      scf.if %cond3A_67 {
        %add3A_127 = arith.constant 1 : i32
        %add3A_128 = arith.addi %mul3A_39, %add3A_127 : i32
        %sub3A = arith.constant 4 : i32
        %sub3A_129 = arith.subi %add3A_128, %sub3A : i32
        %shift_right_arithmetic3A_130 = arith.constant 3 : i32
        %shift_right_arithmetic3A_131 = arith.shrsi %sub3A_129, %shift_right_arithmetic3A_130 : i32
        %and3A_132 = arith.constant 7 : i32
        %and3A_133 = arith.andi %sub3A_129, %and3A_132 : i32
        %mul3A_134 = arith.constant 2048 : i32
        %mul3A_135 = arith.muli %and3A_133, %mul3A_134 : i32
        %dma_wait3A_136 = tpu.memref_slice %arg4[%shift_right_arithmetic3A_131, %mul3A_2, %mul3A_135] : memref<8x256x16384xf32, #tpu.memory_space<hbm>> -> memref<1x8x2048xf32, #tpu.memory_space<hbm>>
        %dma_wait3A_137 = tpu.memref_squeeze %dma_wait3A_136 : memref<1x8x2048xf32, #tpu.memory_space<hbm>> -> memref<8x2048xf32, #tpu.memory_space<hbm>>
        %dma_wait3A_138 = tpu.memref_slice %arg4[%shift_right_arithmetic3A_131, %mul3A_2, %mul3A_135] : memref<8x256x16384xf32, #tpu.memory_space<hbm>> -> memref<1x8x2048xf32, #tpu.memory_space<hbm>>
        %dma_wait3A_139 = tpu.memref_squeeze %dma_wait3A_138 : memref<1x8x2048xf32, #tpu.memory_space<hbm>> -> memref<8x2048xf32, #tpu.memory_space<hbm>>
        tpu.wait_dma2 semaphore(%arg12 : memref<!tpu.dma_semaphore, #tpu.memory_space<semaphore_mem>>) src(%arg8 : memref<8x2048xf32, #tpu.memory_space<vmem>>) dst(%dma_wait3A_139 : memref<8x2048xf32, #tpu.memory_space<hbm>>)
      } else {
      }
      %add3A_68 = arith.constant 1 : i32
      %add3A_69 = arith.addi %mul3A_39, %add3A_68 : i32
      %and3A_70 = arith.constant 7 : i32
      %and3A_71 = arith.andi %add3A_69, %and3A_70 : i32
      %mul3A_72 = arith.constant 2048 : i32
      %mul3A_73 = arith.muli %and3A_71, %mul3A_72 : i32
      %shift_right_arithmetic3A_74 = arith.constant 3 : i32
      %shift_right_arithmetic3A_75 = arith.shrsi %add3A_69, %shift_right_arithmetic3A_74 : i32
      %and3A_76 = arith.constant 7 : i32
      %and3A_77 = arith.andi %add3A_69, %and3A_76 : i32
      %mul3A_78 = arith.constant 2048 : i32
      %mul3A_79 = arith.muli %and3A_77, %mul3A_78 : i32
      %dma_start3A_80 = tpu.memref_slice %arg4[%shift_right_arithmetic3A_75, %mul3A_2, %mul3A_79] : memref<8x256x16384xf32, #tpu.memory_space<hbm>> -> memref<1x8x2048xf32, #tpu.memory_space<hbm>>
      %dma_start3A_81 = tpu.memref_squeeze %dma_start3A_80 : memref<1x8x2048xf32, #tpu.memory_space<hbm>> -> memref<8x2048xf32, #tpu.memory_space<hbm>>
      %dma_start3A_82 = tpu.memref_slice %arg4[%shift_right_arithmetic3A_75, %mul3A_2, %mul3A_79] : memref<8x256x16384xf32, #tpu.memory_space<hbm>> -> memref<1x8x2048xf32, #tpu.memory_space<hbm>>
      %dma_start3A_83 = tpu.memref_squeeze %dma_start3A_82 : memref<1x8x2048xf32, #tpu.memory_space<hbm>> -> memref<8x2048xf32, #tpu.memory_space<hbm>>
      tpu.enqueue_dma source(%arg8 : memref<8x2048xf32, #tpu.memory_space<vmem>>) target(%dma_start3A_83 : memref<8x2048xf32, #tpu.memory_space<hbm>>) target_semaphore(%arg12 : memref<!tpu.dma_semaphore, #tpu.memory_space<semaphore_mem>>)
      %ge3A_84 = arith.constant 1 : i32
      %ge3A_85 = arith.cmpi sge, %scan3A_36, %ge3A_84 : i32
      %convert_element_type3A_86 = arith.extui %ge3A_85 : i1 to i32
      %cond3A_87 = arith.constant 0 : i32
      %cond3A_88 = arith.cmpi ne, %convert_element_type3A_86, %cond3A_87 : i32
      scf.if %cond3A_88 {
        %add3A_127 = arith.constant 2 : i32
        %add3A_128 = arith.addi %mul3A_39, %add3A_127 : i32
        %sub3A = arith.constant 4 : i32
        %sub3A_129 = arith.subi %add3A_128, %sub3A : i32
        %shift_right_arithmetic3A_130 = arith.constant 3 : i32
        %shift_right_arithmetic3A_131 = arith.shrsi %sub3A_129, %shift_right_arithmetic3A_130 : i32
        %and3A_132 = arith.constant 7 : i32
        %and3A_133 = arith.andi %sub3A_129, %and3A_132 : i32
        %mul3A_134 = arith.constant 2048 : i32
        %mul3A_135 = arith.muli %and3A_133, %mul3A_134 : i32
        %dma_wait3A_136 = tpu.memref_slice %arg4[%shift_right_arithmetic3A_131, %mul3A_2, %mul3A_135] : memref<8x256x16384xf32, #tpu.memory_space<hbm>> -> memref<1x8x2048xf32, #tpu.memory_space<hbm>>
        %dma_wait3A_137 = tpu.memref_squeeze %dma_wait3A_136 : memref<1x8x2048xf32, #tpu.memory_space<hbm>> -> memref<8x2048xf32, #tpu.memory_space<hbm>>
        %dma_wait3A_138 = tpu.memref_slice %arg4[%shift_right_arithmetic3A_131, %mul3A_2, %mul3A_135] : memref<8x256x16384xf32, #tpu.memory_space<hbm>> -> memref<1x8x2048xf32, #tpu.memory_space<hbm>>
        %dma_wait3A_139 = tpu.memref_squeeze %dma_wait3A_138 : memref<1x8x2048xf32, #tpu.memory_space<hbm>> -> memref<8x2048xf32, #tpu.memory_space<hbm>>
        tpu.wait_dma2 semaphore(%arg13 : memref<!tpu.dma_semaphore, #tpu.memory_space<semaphore_mem>>) src(%arg9 : memref<8x2048xf32, #tpu.memory_space<vmem>>) dst(%dma_wait3A_139 : memref<8x2048xf32, #tpu.memory_space<hbm>>)
      } else {
      }
      %add3A_89 = arith.constant 2 : i32
      %add3A_90 = arith.addi %mul3A_39, %add3A_89 : i32
      %and3A_91 = arith.constant 7 : i32
      %and3A_92 = arith.andi %add3A_90, %and3A_91 : i32
      %mul3A_93 = arith.constant 2048 : i32
      %mul3A_94 = arith.muli %and3A_92, %mul3A_93 : i32
      %shift_right_arithmetic3A_95 = arith.constant 3 : i32
      %shift_right_arithmetic3A_96 = arith.shrsi %add3A_90, %shift_right_arithmetic3A_95 : i32
      %and3A_97 = arith.constant 7 : i32
      %and3A_98 = arith.andi %add3A_90, %and3A_97 : i32
      %mul3A_99 = arith.constant 2048 : i32
      %mul3A_100 = arith.muli %and3A_98, %mul3A_99 : i32
      %dma_start3A_101 = tpu.memref_slice %arg4[%shift_right_arithmetic3A_96, %mul3A_2, %mul3A_100] : memref<8x256x16384xf32, #tpu.memory_space<hbm>> -> memref<1x8x2048xf32, #tpu.memory_space<hbm>>
      %dma_start3A_102 = tpu.memref_squeeze %dma_start3A_101 : memref<1x8x2048xf32, #tpu.memory_space<hbm>> -> memref<8x2048xf32, #tpu.memory_space<hbm>>
      %dma_start3A_103 = tpu.memref_slice %arg4[%shift_right_arithmetic3A_96, %mul3A_2, %mul3A_100] : memref<8x256x16384xf32, #tpu.memory_space<hbm>> -> memref<1x8x2048xf32, #tpu.memory_space<hbm>>
      %dma_start3A_104 = tpu.memref_squeeze %dma_start3A_103 : memref<1x8x2048xf32, #tpu.memory_space<hbm>> -> memref<8x2048xf32, #tpu.memory_space<hbm>>
      tpu.enqueue_dma source(%arg9 : memref<8x2048xf32, #tpu.memory_space<vmem>>) target(%dma_start3A_104 : memref<8x2048xf32, #tpu.memory_space<hbm>>) target_semaphore(%arg13 : memref<!tpu.dma_semaphore, #tpu.memory_space<semaphore_mem>>)
      %ge3A_105 = arith.constant 1 : i32
      %ge3A_106 = arith.cmpi sge, %scan3A_36, %ge3A_105 : i32
      %convert_element_type3A_107 = arith.extui %ge3A_106 : i1 to i32
      %cond3A_108 = arith.constant 0 : i32
      %cond3A_109 = arith.cmpi ne, %convert_element_type3A_107, %cond3A_108 : i32
      scf.if %cond3A_109 {
        %add3A_127 = arith.constant 3 : i32
        %add3A_128 = arith.addi %mul3A_39, %add3A_127 : i32
        %sub3A = arith.constant 4 : i32
        %sub3A_129 = arith.subi %add3A_128, %sub3A : i32
        %shift_right_arithmetic3A_130 = arith.constant 3 : i32
        %shift_right_arithmetic3A_131 = arith.shrsi %sub3A_129, %shift_right_arithmetic3A_130 : i32
        %and3A_132 = arith.constant 7 : i32
        %and3A_133 = arith.andi %sub3A_129, %and3A_132 : i32
        %mul3A_134 = arith.constant 2048 : i32
        %mul3A_135 = arith.muli %and3A_133, %mul3A_134 : i32
        %dma_wait3A_136 = tpu.memref_slice %arg4[%shift_right_arithmetic3A_131, %mul3A_2, %mul3A_135] : memref<8x256x16384xf32, #tpu.memory_space<hbm>> -> memref<1x8x2048xf32, #tpu.memory_space<hbm>>
        %dma_wait3A_137 = tpu.memref_squeeze %dma_wait3A_136 : memref<1x8x2048xf32, #tpu.memory_space<hbm>> -> memref<8x2048xf32, #tpu.memory_space<hbm>>
        %dma_wait3A_138 = tpu.memref_slice %arg4[%shift_right_arithmetic3A_131, %mul3A_2, %mul3A_135] : memref<8x256x16384xf32, #tpu.memory_space<hbm>> -> memref<1x8x2048xf32, #tpu.memory_space<hbm>>
        %dma_wait3A_139 = tpu.memref_squeeze %dma_wait3A_138 : memref<1x8x2048xf32, #tpu.memory_space<hbm>> -> memref<8x2048xf32, #tpu.memory_space<hbm>>
        tpu.wait_dma2 semaphore(%arg14 : memref<!tpu.dma_semaphore, #tpu.memory_space<semaphore_mem>>) src(%arg10 : memref<8x2048xf32, #tpu.memory_space<vmem>>) dst(%dma_wait3A_139 : memref<8x2048xf32, #tpu.memory_space<hbm>>)
      } else {
      }
      %add3A_110 = arith.constant 3 : i32
      %add3A_111 = arith.addi %mul3A_39, %add3A_110 : i32
      %and3A_112 = arith.constant 7 : i32
      %and3A_113 = arith.andi %add3A_111, %and3A_112 : i32
      %mul3A_114 = arith.constant 2048 : i32
      %mul3A_115 = arith.muli %and3A_113, %mul3A_114 : i32
      %shift_right_arithmetic3A_116 = arith.constant 3 : i32
      %shift_right_arithmetic3A_117 = arith.shrsi %add3A_111, %shift_right_arithmetic3A_116 : i32
      %and3A_118 = arith.constant 7 : i32
      %and3A_119 = arith.andi %add3A_111, %and3A_118 : i32
      %mul3A_120 = arith.constant 2048 : i32
      %mul3A_121 = arith.muli %and3A_119, %mul3A_120 : i32
      %dma_start3A_122 = tpu.memref_slice %arg4[%shift_right_arithmetic3A_117, %mul3A_2, %mul3A_121] : memref<8x256x16384xf32, #tpu.memory_space<hbm>> -> memref<1x8x2048xf32, #tpu.memory_space<hbm>>
      %dma_start3A_123 = tpu.memref_squeeze %dma_start3A_122 : memref<1x8x2048xf32, #tpu.memory_space<hbm>> -> memref<8x2048xf32, #tpu.memory_space<hbm>>
      %dma_start3A_124 = tpu.memref_slice %arg4[%shift_right_arithmetic3A_117, %mul3A_2, %mul3A_121] : memref<8x256x16384xf32, #tpu.memory_space<hbm>> -> memref<1x8x2048xf32, #tpu.memory_space<hbm>>
      %dma_start3A_125 = tpu.memref_squeeze %dma_start3A_124 : memref<1x8x2048xf32, #tpu.memory_space<hbm>> -> memref<8x2048xf32, #tpu.memory_space<hbm>>
      tpu.enqueue_dma source(%arg10 : memref<8x2048xf32, #tpu.memory_space<vmem>>) target(%dma_start3A_125 : memref<8x2048xf32, #tpu.memory_space<hbm>>) target_semaphore(%arg14 : memref<!tpu.dma_semaphore, #tpu.memory_space<semaphore_mem>>)
      %scan3A_126 = arith.constant 0 : i32
      scf.yield %scan3A_126 : i32
    }
    %scan3A_8 = arith.constant 16 : i32
    %dma_wait3A = arith.constant 7 : i32
    %dma_wait3A_9 = arith.constant 8192 : i32
    %dma_wait3A_10 = tpu.memref_slice %arg4[%dma_wait3A, %mul3A_2, %dma_wait3A_9] : memref<8x256x16384xf32, #tpu.memory_space<hbm>> -> memref<1x8x2048xf32, #tpu.memory_space<hbm>>
    %dma_wait3A_11 = tpu.memref_squeeze %dma_wait3A_10 : memref<1x8x2048xf32, #tpu.memory_space<hbm>> -> memref<8x2048xf32, #tpu.memory_space<hbm>>
    %dma_wait3A_12 = arith.constant 8192 : i32
    %dma_wait3A_13 = tpu.memref_slice %arg4[%dma_wait3A, %mul3A_2, %dma_wait3A_12] : memref<8x256x16384xf32, #tpu.memory_space<hbm>> -> memref<1x8x2048xf32, #tpu.memory_space<hbm>>
    %dma_wait3A_14 = tpu.memref_squeeze %dma_wait3A_13 : memref<1x8x2048xf32, #tpu.memory_space<hbm>> -> memref<8x2048xf32, #tpu.memory_space<hbm>>
    tpu.wait_dma2 semaphore(%arg11 : memref<!tpu.dma_semaphore, #tpu.memory_space<semaphore_mem>>) src(%arg7 : memref<8x2048xf32, #tpu.memory_space<vmem>>) dst(%dma_wait3A_14 : memref<8x2048xf32, #tpu.memory_space<hbm>>)
    %dma_wait3A_15 = arith.constant 7 : i32
    %dma_wait3A_16 = arith.constant 10240 : i32
    %dma_wait3A_17 = tpu.memref_slice %arg4[%dma_wait3A_15, %mul3A_2, %dma_wait3A_16] : memref<8x256x16384xf32, #tpu.memory_space<hbm>> -> memref<1x8x2048xf32, #tpu.memory_space<hbm>>
    %dma_wait3A_18 = tpu.memref_squeeze %dma_wait3A_17 : memref<1x8x2048xf32, #tpu.memory_space<hbm>> -> memref<8x2048xf32, #tpu.memory_space<hbm>>
    %dma_wait3A_19 = arith.constant 10240 : i32
    %dma_wait3A_20 = tpu.memref_slice %arg4[%dma_wait3A_15, %mul3A_2, %dma_wait3A_19] : memref<8x256x16384xf32, #tpu.memory_space<hbm>> -> memref<1x8x2048xf32, #tpu.memory_space<hbm>>
    %dma_wait3A_21 = tpu.memref_squeeze %dma_wait3A_20 : memref<1x8x2048xf32, #tpu.memory_space<hbm>> -> memref<8x2048xf32, #tpu.memory_space<hbm>>
    tpu.wait_dma2 semaphore(%arg12 : memref<!tpu.dma_semaphore, #tpu.memory_space<semaphore_mem>>) src(%arg8 : memref<8x2048xf32, #tpu.memory_space<vmem>>) dst(%dma_wait3A_21 : memref<8x2048xf32, #tpu.memory_space<hbm>>)
    %dma_wait3A_22 = arith.constant 7 : i32
    %dma_wait3A_23 = arith.constant 12288 : i32
    %dma_wait3A_24 = tpu.memref_slice %arg4[%dma_wait3A_22, %mul3A_2, %dma_wait3A_23] : memref<8x256x16384xf32, #tpu.memory_space<hbm>> -> memref<1x8x2048xf32, #tpu.memory_space<hbm>>
    %dma_wait3A_25 = tpu.memref_squeeze %dma_wait3A_24 : memref<1x8x2048xf32, #tpu.memory_space<hbm>> -> memref<8x2048xf32, #tpu.memory_space<hbm>>
    %dma_wait3A_26 = arith.constant 12288 : i32
    %dma_wait3A_27 = tpu.memref_slice %arg4[%dma_wait3A_22, %mul3A_2, %dma_wait3A_26] : memref<8x256x16384xf32, #tpu.memory_space<hbm>> -> memref<1x8x2048xf32, #tpu.memory_space<hbm>>
    %dma_wait3A_28 = tpu.memref_squeeze %dma_wait3A_27 : memref<1x8x2048xf32, #tpu.memory_space<hbm>> -> memref<8x2048xf32, #tpu.memory_space<hbm>>
    tpu.wait_dma2 semaphore(%arg13 : memref<!tpu.dma_semaphore, #tpu.memory_space<semaphore_mem>>) src(%arg9 : memref<8x2048xf32, #tpu.memory_space<vmem>>) dst(%dma_wait3A_28 : memref<8x2048xf32, #tpu.memory_space<hbm>>)
    %dma_wait3A_29 = arith.constant 7 : i32
    %dma_wait3A_30 = arith.constant 14336 : i32
    %dma_wait3A_31 = tpu.memref_slice %arg4[%dma_wait3A_29, %mul3A_2, %dma_wait3A_30] : memref<8x256x16384xf32, #tpu.memory_space<hbm>> -> memref<1x8x2048xf32, #tpu.memory_space<hbm>>
    %dma_wait3A_32 = tpu.memref_squeeze %dma_wait3A_31 : memref<1x8x2048xf32, #tpu.memory_space<hbm>> -> memref<8x2048xf32, #tpu.memory_space<hbm>>
    %dma_wait3A_33 = arith.constant 14336 : i32
    %dma_wait3A_34 = tpu.memref_slice %arg4[%dma_wait3A_29, %mul3A_2, %dma_wait3A_33] : memref<8x256x16384xf32, #tpu.memory_space<hbm>> -> memref<1x8x2048xf32, #tpu.memory_space<hbm>>
    %dma_wait3A_35 = tpu.memref_squeeze %dma_wait3A_34 : memref<1x8x2048xf32, #tpu.memory_space<hbm>> -> memref<8x2048xf32, #tpu.memory_space<hbm>>
    tpu.wait_dma2 semaphore(%arg14 : memref<!tpu.dma_semaphore, #tpu.memory_space<semaphore_mem>>) src(%arg10 : memref<8x2048xf32, #tpu.memory_space<vmem>>) dst(%dma_wait3A_35 : memref<8x2048xf32, #tpu.memory_space<hbm>>)
    return
  }
}

</mosaic_0001>

<sc_bundles>
// kernel: kernel.3.cloned.1.call-start
scs
__scs_entry_jumppad:
0x0: {  	(pc) =	sbr.rel $0x88, $3  }
0x1: {  	(tag) =	ssettag $0x0;
	lr =	simm.s32 $0x1  }
0x2: {  	[smem:$0x3F9E] =	sst lr;
	_ =	strace $0xD0000000  }
0x3: {  	_ = 	snop  }
0x4: {  	_ = 	snop  }
0x5: {  	_ = 	snop  }
0x6: {  	_ = 	snop  }
0x7: {  	_ = 	snop  }
__scs_overlays_trampoline_lowered:
0x8: {  	[smem:$0x3FAD] =	sst s0  }
0x9: {  	[smem:$0x3FAE] =	sst s1  }
0xa: {  	[smem:$0x3FAF] =	sst s2  }
0xb: {  	[smem:$0x3FB0] =	sst s3  }
0xc: {  	[smem:$0x3FB1] =	sst s4  }
0xd: {  	[smem:$0x3FB2] =	sst s5  }
0xe: {  	[smem:$0x3FB3] =	sst s6  }
0xf: {  	[smem:$0x3FB4] =	sst s7  }
0x10: {  	[smem:$0x3FB5] =	sst s8  }
0x11: {  	[smem:$0x3FB6] =	sst s9;
	s0 =	simm.s32 @!p0 $0x0  }
0x12: {  	s1 =	sld [smem:$0x3F9C];
	s0 =	simm.s32 @p0 $0x1  }
0x13: {  	[smem:$0x3FB7] =	sst s0;
	s0 =	simm.s32 @!p1 $0x0  }
0x14: {  	s2 =	sld [smem:$0x3F9B];
	s0 =	simm.s32 @p1 $0x1  }
0x15: {  	[smem:$0x3FB8] =	sst s0;
	s0 =	simm.s32 @!p2 $0x0  }
0x16: {  	s3 =	sld [smem:$0x3FDB];
	s0 =	simm.s32 @p2 $0x1  }
0x17: {  	s4 =	simm.s32 $0x1BF5;
	[smem:$0x3FBA] =	sst s0  }
0x18: {  	s0 =	sld [smem:$0x3F9D];
	_ =	swait.ge [sflag:s4], $0x0  }
0x19: {  	s7 =	sld [smem:$0x3F9E]  }
0x1a: {  	s8 =	sadd.s32 $0xFFFFE003, lr  }
0x1b: {  	s9 =	sadd.s32 $0xFFFFFEF7, lr;
	s5 =	simm.s32 $0xFFFFFFFF;
	p2 =	slt.u32 s8, $0xFFFFF086  }
0x1c: {  	p1 =	slt.u32 s9, $0xF7A;
	s5 =	simm.s32 @!p2 $0x0  }
0x1d: {  	s5 =	simm.s32 @p1 $0x1;
	p0 =	seq.s32 s7, s2  }
0x1e: {  	s7 =	smul.u32 @!p0 $0xF7A, s2;
	p2 =	seq.s32 @!p0 s5, $0x0  }
0x1f: {  	s9 =	smul.u32 $0xF7A, s1;
	s8 =	simm.s32 @!p0 $0x1BF5;
	p2 =	por !p2, p0  }
0x20: {  	[sflag:s8] =	ssyncset.s32 @!p0 $0xFFFFF086;
	s6 =	sadd.s32 @!p0 s3, s7;
	s7 =	simm.s32 @!p0 $0x108  }
0x21: {  	s3 =	sadd.s32 s3, s9;
	s6 =	sadd.s32 @!p0 $0x88, s6;
	s7 =	simm.s32 @p2 $0x1082  }
0x22: {  	[simem:s7], [sflag:s8] =	dma.local @!p0 [hbm:s6], $0xF7A  }
0x23: {  	s9 =	sor.u32 $0xD0000000, s2;
	s6 =	simm.s32 $0x108;
	_ =	swait.ge @!p0 [sflag:s8], $0x0  }
0x24: {  	s3 =	sadd.s32 $0x88, s3;
	s6 =	simm.s32 @!p1 $0x1082;
	[sflag:s4] =	ssyncset.s32 $0xFFFFF086  }
0x25: {  	[simem:s6], [sflag:s4] =	dma.local [hbm:s3], $0xF7A  }
0x26: {  	[smem:$0x3F9E] =	sst s1;
	(tag) =	ssettag s2;
	_ =	strace s9  }
0x27: {  	s1 =	sld [smem:$0x3FAE]  }
0x28: {  	s2 =	sld [smem:$0x3FAF]  }
0x29: {  	s4 =	sld [smem:$0x3FB1]  }
0x2a: {  	p0 =	seq.s32 s5, $0x0;
	s5 =	sld [smem:$0x3FB2]  }
0x2b: {  	s6 =	sld [smem:$0x3FB3]  }
0x2c: {  	s7 =	sld [smem:$0x3FB4]  }
0x2d: {  	s3 =	simm.s32 $0x108;
	s8 =	sld [smem:$0x3FB5]  }
0x2e: {  	s3 =	simm.s32 @!p0 $0x1082;
	s9 =	sld [smem:$0x3FB6]  }
0x2f: {  	lr =	sadd.s32 s0, s3;
	s0 =	sld [smem:$0x3FAD]  }
0x30: {  	s3 =	sld [smem:$0x3FB0]  }
0x31: {  	[smem:$0x3FB9] =	sst s10  }
0x32: {  	s10 =	sld [smem:$0x3FB7];
	_ =	sdelay $0x3  }
0x33: {  	p0 =	seq.s32 s10, $0x1;
	s10 =	sld [smem:$0x3FB9];
	_ =	sdelay $0x3  }
0x34: {  	[smem:$0x3FB9] =	sst s10  }
0x35: {  	s10 =	sld [smem:$0x3FB8];
	_ =	sdelay $0x3  }
0x36: {  	p1 =	seq.s32 s10, $0x1;
	s10 =	sld [smem:$0x3FB9];
	_ =	sdelay $0x3  }
0x37: {  	[smem:$0x3FB9] =	sst s10  }
0x38: {  	s10 =	sld [smem:$0x3FBA]  }
0x39: {  	_ = 	snop;
	(pc) =	sbr.ind lr, $3  }
0x3a: {  	_ = 	snop  }
0x3b: {  	_ = 	snop  }
0x3c: {  	p2 =	seq.s32 s10, $0x1;
	s10 =	sld [smem:$0x3FB9]  }
0x3d: {  	_ =	shalt  }
0x3e: {  	_ =	shalt  }
0x3f: {  	_ =	shalt  }
0x40: {  	_ =	shalt  }
0x41: {  	_ =	shalt  }
0x42: {  	_ =	shalt  }
0x43: {  	_ =	shalt  }
0x44: {  	_ =	shalt  }
0x45: {  	_ =	shalt  }
0x46: {  	_ =	shalt  }
0x47: {  	_ =	shalt  }
0x48: {  	_ =	shalt  }
0x49: {  	_ =	shalt  }
0x4a: {  	_ =	shalt  }
0x4b: {  	_ =	shalt  }
0x4c: {  	_ =	shalt  }
0x4d: {  	_ =	shalt  }
0x4e: {  	_ =	shalt  }
0x4f: {  	_ =	shalt  }
0x50: {  	_ =	shalt  }
0x51: {  	_ =	shalt  }
0x52: {  	_ =	shalt  }
0x53: {  	_ =	shalt  }
0x54: {  	_ =	shalt  }
0x55: {  	_ =	shalt  }
0x56: {  	_ =	shalt  }
0x57: {  	_ =	shalt  }
0x58: {  	_ =	shalt  }
0x59: {  	_ =	shalt  }
0x5a: {  	_ =	shalt  }
0x5b: {  	_ =	shalt  }
0x5c: {  	_ =	shalt  }
0x5d: {  	_ =	shalt  }
0x5e: {  	_ =	shalt  }
0x5f: {  	_ =	shalt  }
0x60: {  	_ =	shalt  }
0x61: {  	_ =	shalt  }
0x62: {  	_ =	shalt  }
0x63: {  	_ =	shalt  }
0x64: {  	_ =	shalt  }
0x65: {  	_ =	shalt  }
0x66: {  	_ =	shalt  }
0x67: {  	_ =	shalt  }
0x68: {  	_ =	shalt  }
0x69: {  	_ =	shalt  }
0x6a: {  	_ =	shalt  }
0x6b: {  	_ =	shalt  }
0x6c: {  	_ =	shalt  }
0x6d: {  	_ =	shalt  }
0x6e: {  	_ =	shalt  }
0x6f: {  	_ =	shalt  }
0x70: {  	_ =	shalt  }
0x71: {  	_ =	shalt  }
0x72: {  	_ =	shalt  }
0x73: {  	_ =	shalt  }
0x74: {  	_ =	shalt  }
0x75: {  	_ =	shalt  }
0x76: {  	_ =	shalt  }
0x77: {  	_ =	shalt  }
0x78: {  	_ =	shalt  }
0x79: {  	_ =	shalt  }
0x7a: {  	_ =	shalt  }
0x7b: {  	_ =	shalt  }
0x7c: {  	_ =	shalt  }
0x7d: {  	_ =	shalt  }
0x7e: {  	_ =	shalt  }
0x7f: {  	_ =	shalt  }
0x80: {  	_ =	shalt  }
0x81: {  	_ =	shalt  }
0x82: {  	_ =	shalt  }
0x83: {  	_ =	shalt  }
0x84: {  	_ =	shalt  }
0x85: {  	_ =	shalt  }
0x86: {  	_ =	shalt  }
0x87: {  	_ =	shalt  }
.Lfunc_end0:
.L_simem_size_0:
called_computation_lowered:
.L_overlay_start_0:
0x88: {  	s2 =	sld [smem:$0x3FD9]  }
0x89: {  	s3 =	sld [smem:$0x3FFE];
	_ =	sdelay $0x1  }
0x8a: {  	s1 =	srdreg.scid  }
0x8b: {  	s0 =	sand.u32 $0x1, s1  }
0x8c: {  	s15 =	sshll.u32 s0, $0xA;
	s2 =	sadd.s32 s3, s2  }
0x8d: {  	s2 =	sadd.s32 s2, s15  }
0x8e: {  	[smem:$0x3FC5] =	sst s2  }
0x8f: {  	_ = 	snop  }
0x90: {  	s2 =	sld [smem:$0x3FD0];
	_ =	sdelay $0x2  }
0x91: {  	s4 =	simm.s32 $0xA;
	s5 =	simm.s32 $0x10;
	s16 =	sld [smem:$0x3FC9]  }
0x92: {  	[smem:s5], [sflag:s4] =	dma.local [hbm:s2], $0x1  }
0x93: {  	_ =	swait.eq [sflag:s4], $0x1  }
0x94: {  	[sflag:s4] =	ssyncset.done $0x0  }
0x95: {  	s17 =	sld [smem:$0x10];
	[sflag:s4] =	ssyncadd.s32 $0xFFFFFFFF  }
0x96: {  	s18 =	sld [smem:$0x12];
	(tm) =	ssettm $0x1  }
0x97: {  	s19 =	sld [smem:$0x3FFB];
	_ =	sdelay $0x3  }
0x98: {  	_ =	strace s19  }
0x99: {  	s5 =	sld [smem:$0x3FFC];
	_ =	sdelay $0x3  }
0x9a: {  	_ =	strace s5  }
0x9b: {  	s5 =	sld [smem:$0x3FFD];
	_ =	sdelay $0x3  }
0x9c: {  	_ =	strace s5  }
0x9d: {  	_ =	strace $0x8FFFFFFF  }
0x9e: {  	s20 =	sld [smem:$0x3FDB];
	_ =	sdelay $0x1  }
0x9f: {  	s6 =	simm.s32 $_scs_section_size  }
0xa0: {  	s7 =	simm.s32 $_size__tile_overlayer_lowered;
	s8 =	simm.s32 $_tile_overlayer_lowered  }
0xa1: {  	s23 =	simm.s32 $0x1BFF;
	s22 =	sshll.u32 s8, $0x1;
	s5 =	sadd.s32 s6, s20  }
0xa2: {  	s9 =	simm.s32 $0x0;
	s21 =	sshll.u32 s7, $0x1;
	s7 =	sadd.s32 s22, s5  }
0xa3: {  	[timem:s9], [sflag:s23] =	dma.local [hbm:s7], s21  }
0xa4: {  	_ =	swait.ge [sflag:s23], s21  }
0xa5: {  	s6 =	ssub.s32 $0x0, s21;
	[sflag:s23] =	ssyncset.done $0x0  }
0xa6: {  	[sflag:s23] =	ssyncadd.s32 s6;
	_ =	sdelay $0x1  }
0xa7: {  	s24 =	simm.s32 $0x1B8B  }
0xa8: {  	_ =	swait.ge [sflag:s24], $0x1  }
0xa9: {  	[sflag:s24] =	ssyncset.done $0x0  }
0xaa: {  	s25 =	simm.s32 $0x1B8E;
	[sflag:s24] =	ssyncadd.s32 $0xFFFFFFFF  }
0xab: {  	s26 =	simm.s32 $execute0_lowered;
	[smem:$0x3FD2] =	sst s25  }
0xac: {  	s6 =	sshll.u32 s26, $0x1;
	_ =	strace $0x80000046;
	[dreg:$0x1] =	wrdreg $0xFFFFFFFF  }
0xad: {  	s28 =	simm.s32 $_size_execute0_lowered;
	s5 =	sadd.s32 s5, s6;
	[dreg:$0x0] =	wrdreg $0x0  }
0xae: {  	s6 =	sshll.u32 s28, $0x1;
	[dreg:$0x2] =	wrdreg s5  }
0xaf: {  	[dreg:$0x3] =	wrdreg s6  }
0xb0: {  	[dreg:$0x4] =	wrdreg $0xC0  }
0xb1: {  	_ =	task [dreg:s9], $0x5FFFF  }
0xb2: {  	[dreg:$0x1] =	wrdreg $0xFFFFFFFF  }
0xb3: {  	[dreg:$0x0] =	wrdreg $0x60  }
0xb4: {  	[dreg:$0x2] =	wrdreg s16  }
0xb5: {  	[dreg:$0x3] =	wrdreg s18  }
0xb6: {  	[dreg:$0x4] =	wrdreg s17  }
0xb7: {  	[dreg:$0x5] =	wrdreg $0x9  }
0xb8: {  	_ =	task.clear_ibuf [dreg:s9], $0x6FFFF;
	_ =	strace $0x90000046  }
0xb9: {  	s29 =	simm.s32 $0x9;
	_ =	strace $0x80000048  }
0xba: {  	_ =	swait.ge [sflag:s29], $0x1  }
0xbb: {  	[sflag:s29] =	ssyncadd.s32 $0xFFFFFFFF  }
0xbc: {  	_ =	strace $0x90000048  }
0xbd: {  	_ =	sfence  }
0xbe: {  	s30 =	sld [smem:$0x0];
	_ =	sdelay $0x2  }
0xbf: {  	s31 =	sshll.u32 s1, $0xD;
	s1 =	sshrl.u32 s1, $0x2  }
0xc0: {  	s3 =	sand.u32 $0x4000, s31;
	s1 =	sadd.s32 s1, s30  }
0xc1: {  	s0 =	sor.u32 s3, s0;
	s1 =	sshll.u32 s1, $0x11  }
0xc2: {  	s0 =	sor.u32 s1, s0  }
0xc3: {  	s0 =	sadd.s32 $0x8F2B, s0  }
0xc4: {  	[sflag:s0] =	ssyncadd.remote.s32 $0x1  }
0xc5: {  	_ =	sfence.sel $0xFFFF  }
0xc6: {  	[dreg:$0x0] =	wrdreg $0xFFFFFFFF;
	(pc) =	sbr.abs _section_cstart, $3  }
0xc7: {  	[dreg:$0x1] =	wrdreg $0xFFFFFFFF  }
0xc8: {  	_ =	task.clear_ibuf [dreg:s9], $0x2FFFF;
	_ =	strace $0x9FFFFFFF  }
0xc9: {  	(tm) =	ssettm $0x7FFFFFFF  }
tec
execute0_lowered:
.L_overlay_start_1:
0x0: {  	(tag) =	ssettag $0x1  }
0x1: {  	s4 =	rddreg [dreg:$0x0]  }
0x2: {  	s0 =	rddreg [dreg:$0x1]  }
0x3: {  	s2 =	rddreg [dreg:$0x2];
	s5 =	srdreg.scid;
	s3 =	simm.s32 $0x0  }
0x4: {  	s1 =	stileid.u32;
	s30 =	simm.s32 $0x10000;
	[dreg:$0x5] =	wrdreg s0  }
0x5: {  	s31 =	simm.s32 $0x18000;
	s10 =	simm.s32 $0x4;
	s0 =	rddreg [dreg:$0x3]  }
0x6: {  	s11 =	simm.s32 $0x0;
	s5 =	sand.u32 $0x1, s5;
	[smem:$0x7FF] =	sst s3  }
0x7: {  	s6 =	sshll.u32 s1, $0x4;
	s7 =	sshll.u32 s5, $0x3;
	_ =	strace $0x80000047  }
0x8: {  	s5 =	ssub.s32 $0x2, s5;
	[dreg:$0x6] =	wrdreg s30;
	s6 =	sor.u32 s7, s6  }
0x9: {  	[dreg:$0x8] =	wrdreg s31;
	s9 =	sshrl.u32 s5, $0x1;
	s7 =	sshll.u32 s6, $0x9  }
0xa: {  	s8 =	sshll.u32 s6, $0xB;
	s28 =	ssub.s32 s5, s9;
	s5 =	sshll.u32 s6, $0xE  }
0xb: {  	s9 =	simm.s32 $0x3;
	s7 =	sadd.s32 s4, s7;
	s4 =	sadd.s32 s2, s8  }
0xc: {  	s6 =	smax.u32 s28, $0x1;
	[dreg:$0x4] =	wrdreg s7;
	s29 =	sadd.s32 $0x1000, s4  }
0xd: {  	s8 =	simm.s32 $0x2;
	s7 =	simm.s32 $0x1;
	[dreg:$0x7] =	wrdreg s29  }
.LBB2_1:
0xe: {  	s13 =	sand.u32 $0x4, s3  }
0xf: {  	s12 =	rddreg [dreg:$0x4];
	s18 =	sand.u32 $0x10000, s3;
	p1 =	sne.s32 s13, $0x0  }
0x10: {  	s12 =	sadd.s32 @!p1 $0x0, s12;
	s14 =	simm.s32 @!p1 $0x0;
	s15 =	simm.s32 @!p1 $0x5  }
0x11: {  	[tilespmem:s14], [sflag:$0x5] =	stream.linear.gather @!p1 [hbm4b:s12+s14], $0x8000, $0x38;
	[tilespmem:$0x1C000] =	vst v63  }
0x12: {  	p0 =	por $0x1, $0x1;
	s16 =	simm.s32 @!p1 $0x80;
	_ =	swait.ge @!p1 [sflag:s15], $0x8000  }
0x13: {  	s17 =	simm.s32 @!p1 $0x400;
	s12 =	rddreg [dreg:$0x5];
	[sflag:s15] =	ssyncset.done @!p1 $0x0  }
0x14: {  	s14 =	simm.s32 @!p1 $0x8000;
	[sflag:s15] =	ssyncadd.s32 @!p1 $0xFFFF8000;
	s12 =	sadd.s32 @!p1 $0x0, s12  }
0x15: {  	[tilespmem:s14], [sflag:$0x5] =	stream.strided.gather @!p1 [hbm4b:s12+s16], $0x4000, s17, s16, $0x38;
	[tilespmem:$0x1C000] =	vst v63  }
0x16: {  	s29 =	sand.u32 $0x1C00000, s3;
	s13 =	sshll.u32 @!p0 s13, $0xE;
	_ =	swait.ge @!p1 [sflag:s15], $0x4000  }
0x17: {  	s12 =	sor.u32 s29, s18;
	s14 =	simm.s32 @p0 $0x0;
	[sflag:s15] =	ssyncset.done @!p1 $0x0  }
0x18: {  	s16 =	simm.s32 @p0 $0xC000;
	[sflag:s15] =	ssyncadd.s32 @!p1 $0xFFFFC000;
	s15 =	simm.s32 @!p0 $0x0  }
0x19: {  	s17 =	simm.s32 @!p0 $0x1;
	s18 =	simm.s32 @!p0 $0x0;
	s13 =	sor.u32 @!p0 s15, s13  }
0x1a: {  	[hbm4b:s4+s14] =	stream.linear.scatter @p0 [tilespmem:s16], [sflag:$0x1], $0x4000, $0x38;
	[tilespmem:$0x1C000] =	vst v63  }
0x1b: {  	s12 =	sor.u32 s5, s12;
	_ =	swait.ge @!p0 [sflag:s17], $0x4000;
	s13 =	sor.u32 @!p0 s5, s13  }
0x1c: {  	s15 =	simm.s32 @!p0 $0x2;
	[sflag:s17] =	ssyncset.done @!p0 $0x0;
	s13 =	sshrl.u32 @!p0 s13, $0x3  }
0x1d: {  	s16 =	simm.s32 @!p0 $0xC000;
	[sflag:s17] =	ssyncadd.s32 @!p0 $0xFFFFC000;
	s13 =	sadd.s32 @!p0 s2, s13  }
0x1e: {  	[hbm4b:s13+s18] =	stream.linear.scatter @!p0 [tilespmem:s16], [sflag:$0x1], $0x4000, $0x38;
	[tilespmem:$0x1C000] =	vst v63  }
0x1f: {  	s12 =	sshrl.u32 s12, $0x3;
	_ =	swait.ge @!p0 [sflag:s15], $0x4000  }
0x20: {  	s20 =	sadd.s32 s12, s2;
	[sflag:s15] =	ssyncset.done @!p0 $0x0  }
0x21: {  	s31 =	sadd.s32 $0x800, s20;
	s30 =	rddreg [dreg:$0x6];
	[sflag:s15] =	ssyncadd.s32 @!p0 $0xFFFFC000  }
0x22: {  	[hbm4b:s31+s3] =	stream.linear.scatter [tilespmem:s30], [sflag:$0x2], $0x4000, $0x38;
	[tilespmem:$0x1C000] =	vst v63  }
0x23: {  	s13 =	simm.s32 @p0 $0x14000;
	s16 =	rddreg [dreg:$0x7];
	s15 =	simm.s32 @!p0 $0x3  }
0x24: {  	[hbm4b:s16+s14] =	stream.linear.scatter @p0 [tilespmem:s13], [sflag:$0x3], $0x4000, $0x38;
	[tilespmem:$0x1C000] =	vst v63  }
0x25: {  	s22 =	simm.s32 @!p0 $0x4;
	s12 =	sadd.s32 @!p0 s12, s2;
	_ =	swait.ge @!p0 [sflag:s15], $0x4000  }
0x26: {  	s12 =	sadd.s32 @!p0 $0x1000, s12;
	s17 =	simm.s32 $0x200000;
	[sflag:s15] =	ssyncset.done @!p0 $0x0  }
0x27: {  	s13 =	simm.s32 $0x0;
	[sflag:s15] =	ssyncadd.s32 @!p0 $0xFFFFC000;
	s15 =	simm.s32 @!p0 $0x14000  }
0x28: {  	[hbm4b:s12+s18] =	stream.linear.scatter @!p0 [tilespmem:s15], [sflag:$0x3], $0x4000, $0x38;
	[tilespmem:$0x1C000] =	vst v63  }
0x29: {  	s14 =	simm.s32 $0x400000;
	s16 =	simm.s32 $0x2;
	s15 =	simm.s32 $0x4  }
0x2a: {  	s12 =	simm.s32 $0x10000;
	s18 =	sand.u32 $0x4, s15;
	_ =	swait.ge @!p0 [sflag:s22], $0x4000  }
.LBB2_2:
0x2b: {  	s21 =	sshrl.u32 s16, $0x1;
	s23 =	rddreg [dreg:$0x8]  }
0x2c: {  	p2 =	sne.s32 s18, $0x0;
	s19 =	smov.u32 s14;
	s25 =	rddreg [dreg:$0x4]  }
0x2d: {  	[sflag:s22] =	ssyncset.done @!p0 $0x0;
	s14 =	sadd.s32 $0x200000, s14;
	s20 =	sadd.s32 $0x1800, s20  }
0x2e: {  	s31 =	sand.u32 $0x10000, s12;
	s28 =	sand.u32 $0x1C00000, s17;
	s24 =	sshll.u32 @!p2 s13, $0x11  }
0x2f: {  	[sflag:s22] =	ssyncadd.s32 @!p0 $0xFFFFC000;
	s22 =	simm.s32 @!p2 $0x0;
	p1 =	sne.s32 s14, $0x2000000  }
0x30: {  	s26 =	simm.s32 @!p2 $0x400;
	p0 =	seq.s32 s17, $0x0;
	s29 =	sor.u32 s28, s31  }
0x31: {  	[hbm4b:s20+s3] =	stream.linear.scatter [tilespmem:s23], [sflag:$0x4], $0x4000, $0x38;
	[tilespmem:$0x1C000] =	vst v63  }
0x32: {  	s20 =	sadd.s32 @!p2 s24, s25;
	s23 =	simm.s32 @!p2 $0x5;
	s24 =	simm.s32 @!p2 $0x8000  }
0x33: {  	[tilespmem:s22], [sflag:$0x5] =	stream.linear.gather @!p2 [hbm4b:s20+s22], $0x8000, $0x38;
	[tilespmem:$0x1C000] =	vst v63  }
0x34: {  	s25 =	simm.s32 @!p2 $0x80;
	s18 =	sshll.u32 @!p0 s18, $0xE;
	_ =	swait.ge @!p2 [sflag:s23], $0x8000  }
0x35: {  	s22 =	sshll.u32 @!p2 s13, $0x4;
	[sflag:s23] =	ssyncset.done @!p2 $0x0;
	s20 =	rddreg [dreg:$0x5]  }
0x36: {  	s13 =	sshll.u32 @!p0 s13, $0x16;
	[sflag:s23] =	ssyncadd.s32 @!p2 $0xFFFF8000;
	s20 =	sadd.s32 @!p2 s20, s22  }
0x37: {  	[tilespmem:s24], [sflag:$0x5] =	stream.strided.gather @!p2 [hbm4b:s20+s25], $0x4000, s26, s25, $0x38;
	[tilespmem:$0x1C000] =	vst v63  }
0x38: {  	s17 =	sor.u32 s5, s29;
	s13 =	sor.u32 @!p0 s13, s18;
	_ =	swait.ge @!p2 [sflag:s23], $0x4000  }
0x39: {  	s13 =	sor.u32 @!p0 s5, s13;
	s22 =	simm.s32 @p0 $0x0;
	[sflag:s23] =	ssyncset.done @!p2 $0x0  }
0x3a: {  	s20 =	simm.s32 @p0 $0xC000;
	[sflag:s23] =	ssyncadd.s32 @!p2 $0xFFFFC000;
	s23 =	simm.s32 @!p0 $0x1  }
0x3b: {  	[hbm4b:s4+s22] =	stream.linear.scatter @p0 [tilespmem:s20], [sflag:$0x1], $0x4000, $0x38;
	[tilespmem:$0x1C000] =	vst v63  }
0x3c: {  	s17 =	sshrl.u32 s17, $0x3;
	s13 =	sshrl.u32 @!p0 s13, $0x3;
	_ =	swait.ge @!p0 [sflag:s23], $0x4000  }
0x3d: {  	s18 =	simm.s32 @!p0 $0x2;
	s13 =	sadd.s32 @!p0 s2, s13;
	[sflag:s23] =	ssyncset.done @!p0 $0x0  }
0x3e: {  	s20 =	simm.s32 @!p0 $0xC000;
	[sflag:s23] =	ssyncadd.s32 @!p0 $0xFFFFC000;
	s23 =	simm.s32 @!p0 $0x0  }
0x3f: {  	[hbm4b:s13+s23] =	stream.linear.scatter @!p0 [tilespmem:s20], [sflag:$0x1], $0x4000, $0x38;
	[tilespmem:$0x1C000] =	vst v63  }
0x40: {  	s13 =	smov.u32 s21;
	s20 =	sadd.s32 s17, s2;
	_ =	swait.ge @!p0 [sflag:s18], $0x4000  }
0x41: {  	s21 =	simm.s32 @!p0 $0x3;
	[sflag:s18] =	ssyncset.done @!p0 $0x0;
	s30 =	rddreg [dreg:$0x6]  }
0x42: {  	s31 =	sadd.s32 $0x800, s20;
	s24 =	rddreg [dreg:$0x7];
	[sflag:s18] =	ssyncadd.s32 @!p0 $0xFFFFC000  }
0x43: {  	[hbm4b:s31+s3] =	stream.linear.scatter [tilespmem:s30], [sflag:$0x2], $0x4000, $0x38;
	[tilespmem:$0x1C000] =	vst v63  }
0x44: {  	s18 =	sadd.s32 @!p0 s17, s2;
	s17 =	smov.u32 s19;
	s19 =	simm.s32 @p0 $0x14000  }
0x45: {  	[hbm4b:s24+s22] =	stream.linear.scatter @p0 [tilespmem:s19], [sflag:$0x3], $0x4000, $0x38;
	[tilespmem:$0x1C000] =	vst v63  }
.Ltmp0:
0x46: {  	s12 =	sadd.s32 $0x10000, s12;
	_ =	swait.ge @!p0 [sflag:s21], $0x4000;
	(pc) =	sbr.rel @p1 .LBB2_2-.Ltmp0, $4  }
0x47: {  	s15 =	sadd.s32 $0x4, s15;
	s18 =	sadd.s32 @!p0 $0x1000, s18;
	[sflag:s21] =	ssyncset.done @!p0 $0x0  }
0x48: {  	s19 =	simm.s32 @!p0 $0x14000;
	s22 =	simm.s32 @!p0 $0x4;
	[sflag:s21] =	ssyncadd.s32 @!p0 $0xFFFFC000  }
0x49: {  	[hbm4b:s18+s23] =	stream.linear.scatter @!p0 [tilespmem:s19], [sflag:$0x3], $0x4000, $0x38;
	[tilespmem:$0x1C000] =	vst v63  }
0x4a: {  	s16 =	sadd.s32 $0x1, s16;
	s18 =	sand.u32 $0x4, s15;
	_ =	swait.ge @!p0 [sflag:s22], $0x4000  }
0x4b: {  	s14 =	rddreg [dreg:$0x8]  }
0x4c: {  	p1 =	sne.s32 s18, $0x0;
	s15 =	rddreg [dreg:$0x4]  }
0x4d: {  	[sflag:s22] =	ssyncset.done @!p0 $0x0;
	s19 =	sadd.s32 $0x1800, s20;
	s12 =	sand.u32 $0x10000, s12  }
0x4e: {  	s25 =	sand.u32 $0x1C00000, s17;
	s16 =	sshll.u32 @!p1 s13, $0x11;
	[sflag:s22] =	ssyncadd.s32 @!p0 $0xFFFFC000  }
0x4f: {  	s20 =	simm.s32 @!p1 $0x80;
	s21 =	simm.s32 @!p1 $0x400;
	p0 =	seq.s32 s17, $0x0  }
0x50: {  	[hbm4b:s19+s3] =	stream.linear.scatter [tilespmem:s14], [sflag:$0x4], $0x4000, $0x38;
	[tilespmem:$0x1C000] =	vst v63  }
0x51: {  	s14 =	sadd.s32 @!p1 s16, s15;
	s15 =	simm.s32 @!p1 $0x0;
	s16 =	simm.s32 @!p1 $0x5  }
0x52: {  	[tilespmem:s15], [sflag:$0x5] =	stream.linear.gather @!p1 [hbm4b:s14+s15], $0x8000, $0x38;
	[tilespmem:$0x1C000] =	vst v63  }
0x53: {  	s12 =	sor.u32 s25, s12;
	s19 =	simm.s32 @!p1 $0x8000;
	_ =	swait.ge @!p1 [sflag:s16], $0x8000  }
0x54: {  	s15 =	sshll.u32 @!p1 s13, $0x4;
	[sflag:s16] =	ssyncset.done @!p1 $0x0;
	s14 =	rddreg [dreg:$0x5]  }
0x55: {  	s17 =	simm.s32 @!p0 $0x1;
	[sflag:s16] =	ssyncadd.s32 @!p1 $0xFFFF8000;
	s14 =	sadd.s32 @!p1 s14, s15  }
0x56: {  	[tilespmem:s19], [sflag:$0x5] =	stream.strided.gather @!p1 [hbm4b:s14+s20], $0x4000, s21, s20, $0x38;
	[tilespmem:$0x1C000] =	vst v63  }
0x57: {  	s13 =	sshll.u32 @!p0 s13, $0x16;
	s15 =	sshll.u32 @!p0 s18, $0xE;
	_ =	swait.ge @!p1 [sflag:s16], $0x4000  }
0x58: {  	s14 =	simm.s32 @p0 $0x0;
	s13 =	sor.u32 @!p0 s13, s15;
	[sflag:s16] =	ssyncset.done @!p1 $0x0  }
0x59: {  	s13 =	sor.u32 @!p0 s5, s13;
	[sflag:s16] =	ssyncadd.s32 @!p1 $0xFFFFC000;
	s16 =	simm.s32 @p0 $0xC000  }
0x5a: {  	[hbm4b:s4+s14] =	stream.linear.scatter @p0 [tilespmem:s16], [sflag:$0x1], $0x4000, $0x38;
	[tilespmem:$0x1C000] =	vst v63  }
0x5b: {  	s12 =	sor.u32 s5, s12;
	s13 =	sshrl.u32 @!p0 s13, $0x3;
	_ =	swait.ge @!p0 [sflag:s17], $0x4000  }
0x5c: {  	s15 =	simm.s32 @!p0 $0x2;
	s13 =	sadd.s32 @!p0 s2, s13;
	[sflag:s17] =	ssyncset.done @!p0 $0x0  }
0x5d: {  	s16 =	simm.s32 @!p0 $0xC000;
	[sflag:s17] =	ssyncadd.s32 @!p0 $0xFFFFC000;
	s17 =	simm.s32 @!p0 $0x0  }
0x5e: {  	[hbm4b:s13+s17] =	stream.linear.scatter @!p0 [tilespmem:s16], [sflag:$0x1], $0x4000, $0x38;
	[tilespmem:$0x1C000] =	vst v63  }
0x5f: {  	s12 =	sshrl.u32 s12, $0x3;
	_ =	swait.ge @!p0 [sflag:s15], $0x4000  }
0x60: {  	s28 =	sadd.s32 s12, s2;
	[sflag:s15] =	ssyncset.done @!p0 $0x0  }
0x61: {  	s29 =	sadd.s32 $0x800, s28;
	s26 =	rddreg [dreg:$0x6];
	[sflag:s15] =	ssyncadd.s32 @!p0 $0xFFFFC000  }
0x62: {  	[hbm4b:s29+s3] =	stream.linear.scatter [tilespmem:s26], [sflag:$0x2], $0x4000, $0x38;
	[tilespmem:$0x1C000] =	vst v63  }
0x63: {  	s13 =	simm.s32 @p0 $0x14000;
	s18 =	rddreg [dreg:$0x7];
	s15 =	simm.s32 @!p0 $0x3  }
0x64: {  	[hbm4b:s18+s14] =	stream.linear.scatter @p0 [tilespmem:s13], [sflag:$0x3], $0x4000, $0x38;
	[tilespmem:$0x1C000] =	vst v63  }
0x65: {  	s12 =	sadd.s32 @!p0 s12, s2;
	_ =	swait.ge @!p0 [sflag:s15], $0x4000  }
0x66: {  	s12 =	sadd.s32 @!p0 $0x1000, s12;
	[sflag:s15] =	ssyncset.done @!p0 $0x0  }
0x67: {  	s13 =	simm.s32 @!p0 $0x14000;
	s14 =	simm.s32 @!p0 $0x4;
	[sflag:s15] =	ssyncadd.s32 @!p0 $0xFFFFC000  }
0x68: {  	[hbm4b:s12+s17] =	stream.linear.scatter @!p0 [tilespmem:s13], [sflag:$0x3], $0x4000, $0x38;
	[tilespmem:$0x1C000] =	vst v63  }
0x69: {  	_ =	swait.ge @!p0 [sflag:s14], $0x4000  }
0x6a: {  	[sflag:s14] =	ssyncset.done @!p0 $0x0  }
0x6b: {  	s31 =	sadd.s32 $0x1800, s28;
	s30 =	rddreg [dreg:$0x8];
	[sflag:s14] =	ssyncadd.s32 @!p0 $0xFFFFC000  }
0x6c: {  	[hbm4b:s31+s3] =	stream.linear.scatter [tilespmem:s30], [sflag:$0x4], $0x4000, $0x38;
	[tilespmem:$0x1C000] =	vst v63  }
0x6d: {  	_ =	swait.ge [sflag:s7], $0x4000  }
0x6e: {  	[sflag:s7] =	ssyncset.done $0x0  }
0x6f: {  	[sflag:s7] =	ssyncadd.s32 $0xFFFFC000  }
0x70: {  	_ =	swait.ge [sflag:s8], $0x4000  }
0x71: {  	[sflag:s8] =	ssyncset.done $0x0  }
0x72: {  	s11 =	sadd.s32 $0x1, s11;
	[sflag:s8] =	ssyncadd.s32 $0xFFFFC000  }
0x73: {  	p0 =	sne.s32 s11, s6;
	_ =	swait.ge [sflag:s9], $0x4000  }
.Ltmp1:
0x74: {  	[sflag:s9] =	ssyncset.done $0x0;
	(pc) =	sbr.rel @p0 .LBB2_1-.Ltmp1, $4  }
0x75: {  	[sflag:s9] =	ssyncadd.s32 $0xFFFFC000  }
0x76: {  	_ =	swait.ge [sflag:s10], $0x4000  }
0x77: {  	[sflag:s10] =	ssyncset.done $0x0  }
0x78: {  	[sflag:s10] =	ssyncadd.s32 $0xFFFFC000  }
0x79: {  	_ =	sfence.sel $0x180000  }
0x7a: {  	[bflag:$0x0] =	sbarrier.arrive $0xFFFF  }
0x7b: {  	p0 =	sne.s32 s1, $0x0;
	_ =	strace $0x90000047  }
0x7c: {  	s0 =	sadd.s32 @!p0 $0x100000, s0;
	[bflag:$0x2] =	sbarrier.arrive $0xFFFF  }
0x7d: {  	[sflag:s0] =	ssyncadd.tile.s32 @!p0 $0x1;
	_ =	shalt  }
.Lfunc_end2:
_tile_overlayer_lowered:
.L_overlay_start_2:
0x7e: {  	(tag) =	ssettag $0x2  }
0x7f: {  	s0 =	rddreg [dreg:$0x0];
	s2 =	stileid.u32  }
0x80: {  	s1 =	rddreg [dreg:$0x1];
	p0 =	sne.s32 s2, $0x0  }
0x81: {  	s3 =	rddreg [dreg:$0x2];
	[bflag:$0x3] =	sbarrier.arrive $0xFFFF;
	s2 =	simm.s32 @!p0 $0x1C05  }
0x82: {  	[timem:s3], [sflag:s2] =	dma.local @!p0 [hbm:s0], s1  }
0x83: {  	s0 =	simm.s32 @!p0 $0x5  }
0x84: {  	_ =	swait.ge @!p0 [sflag:s0], s1  }
0x85: {  	s1 =	ssub.s32 @!p0 $0x0, s1;
	[sflag:s0] =	ssyncset.done @!p0 $0x0  }
0x86: {  	[sflag:s0] =	ssyncadd.s32 @!p0 s1  }
0x87: {  	[bflag:$0x3] =	sbarrier.arrive $0xFFFF  }
0x88: {  	_ =	shalt  }

</sc_bundles>
